<compile_context>
chip_gen: v7x
topology: tpu7x:2x2x1
jax: 0.10.2.dev20260603
libtpu: 0.0.44.dev20260713+nightly
codegen_flags: <defaults>
</compile_context>

<pallas_src>
import functools

import jax
import jax.numpy as jnp
from jax import lax
from jax.experimental import pallas as pl
from jax.experimental.pallas import tpu as pltpu
from jax.experimental.pallas import tpu_sc as plsc

K = 16
NBUF = 3


def _make_gather(vocab: int, d_model: int, n_ids: int):
  info = plsc.get_sparse_core_info()
  nw = info.num_cores * info.num_subcores
  b_per_w = n_ids // nw
  nch = b_per_w // K

  mesh = plsc.VectorSubcoreMesh(core_axis_name="c", subcore_axis_name="s")

  @functools.partial(
      pl.kernel,
      out_type=jax.ShapeDtypeStruct((n_ids, d_model), jnp.float32),
      mesh=mesh,
      scratch_types=[
          pltpu.VMEM((b_per_w,), jnp.int32),
          *[pltpu.VMEM((K, d_model), jnp.float32) for _ in range(NBUF)],
          *[pltpu.SemaphoreType.DMA for _ in range(2 * NBUF)],
      ],
  )
  def gather_kernel(ids_hbm, table_hbm, out_hbm, idx_v, *rest):
    bufs = rest[:NBUF]
    in_sems = rest[NBUF:2 * NBUF]
    out_sems = rest[2 * NBUF:]
    wid = lax.axis_index("s") * info.num_cores + lax.axis_index("c")
    base = wid * b_per_w

    def gather(c, b):
      pltpu.async_copy(table_hbm.at[idx_v.at[pl.ds(c * K, K)]], bufs[b],
                       in_sems[b])

    def gather_wait(c, b):
      pltpu.make_async_copy(table_hbm.at[idx_v.at[pl.ds(c * K, K)]], bufs[b],
                            in_sems[b]).wait()

    def put(c, b):
      pltpu.async_copy(bufs[b], out_hbm.at[pl.ds(base + c * K, K)],
                       out_sems[b])

    def put_wait(c, b):
      pltpu.make_async_copy(bufs[b], out_hbm.at[pl.ds(base + c * K, K)],
                            out_sems[b]).wait()

    pltpu.sync_copy(ids_hbm.at[pl.ds(base, b_per_w)], idx_v)

    for b in range(NBUF - 1):
      gather(b, b)

    nmain = (nch // NBUF) * NBUF

    @pl.loop(0, nmain, step=NBUF)
    def _(c0):
      for b in range(NBUF):
        c = c0 + b
        gather_wait(c, b)
        put(c, b)

        @pl.when(c > 0)
        def _():
          put_wait(c - 1, (b - 1) % NBUF)

        @pl.when(c + NBUF - 1 < nch)
        def _():
          gather(c + NBUF - 1, (b - 1) % NBUF)

    for c in range(nmain, nch):
      b = c % NBUF
      gather_wait(c, b)
      put(c, b)
      put_wait(c - 1, (c - 1) % NBUF)

    put_wait(nch - 1, (nch - 1) % NBUF)

  return gather_kernel


def kernel(input_ids, table):
  vocab, d_model = table.shape
  n_ids = input_ids.size
  info = plsc.get_sparse_core_info()
  nw = info.num_cores * info.num_subcores
  ids = input_ids.reshape(-1).astype(jnp.int32)
  out = _make_gather(vocab, d_model, n_ids)(ids, table)
  return out.reshape(*input_ids.shape, d_model)

# --- scband reference (transcript-rebuilt; emitter-appended) ---
"""Pipeline reference for scband-embedding-24876450578562 (READ-ONLY COPY).

The authoritative reference and input builder live on the scoring server;
editing this copy changes nothing except your own understanding.
"""

import jax, jax.numpy as jnp
import numpy as np

VOCAB = 100000
D_MODEL = 2048
BATCH = 4
SEQ = 4096

def setup_inputs(seed: int = 0) -> dict:
    key = jax.random.key(seed)
    k_ids, k_tab = jax.random.split(key)
    input_ids = jax.random.randint(k_ids, (BATCH, SEQ), 0, VOCAB, dtype=jnp.int64 if jax.config.jax_enable_x64 else jnp.int32)
    table = jax.random.normal(k_tab, (VOCAB, D_MODEL), dtype=jnp.float32) * 0.02
    return {"input_ids": input_ids, "table": table}

def reference(input_ids, table):
    # Faithful translation of transformer.embed_tokens(input_ids): a row gather
    # from the learned embedding table.
    return jnp.take(table, input_ids, axis=0)

if __name__ == "__main__":
    import jax
    _d = setup_inputs()
    print(jax.jit(kernel)(*tuple(_d.values())))

</pallas_src>

<mosaic_0001>
#map = affine_map<(d0, d1) -> (0)>
#map1 = affine_map<(d0, d1) -> (0, 0)>
module attributes {stable_mosaic.version = 14 : i64} {
  func.func @gather_kernel(%arg0: i32, %arg1: i32, %arg2: memref<16384xi32, #tpu.memory_space<hbm>>, %arg3: memref<100000x2048xf32, #tpu.memory_space<hbm>>, %arg4: memref<16384x2048xf32, #tpu.memory_space<hbm>>, %arg5: memref<512xi32, #tpu.memory_space<vmem>>, %arg6: memref<16x2048xf32, #tpu.memory_space<vmem>>, %arg7: memref<16x2048xf32, #tpu.memory_space<vmem>>, %arg8: memref<16x2048xf32, #tpu.memory_space<vmem>>, %arg9: memref<!tpu.dma_semaphore, #tpu.memory_space<semaphore_mem>>, %arg10: memref<!tpu.dma_semaphore, #tpu.memory_space<semaphore_mem>>, %arg11: memref<!tpu.dma_semaphore, #tpu.memory_space<semaphore_mem>>, %arg12: memref<!tpu.dma_semaphore, #tpu.memory_space<semaphore_mem>>, %arg13: memref<!tpu.dma_semaphore, #tpu.memory_space<semaphore_mem>>, %arg14: memref<!tpu.dma_semaphore, #tpu.memory_space<semaphore_mem>>) attributes {dimension_semantics = [#tpu.dimension_semantics<core_parallel>, #tpu.dimension_semantics<subcore_parallel>], iteration_bounds = array<i64: 2, 16>, scalar_prefetch = 0 : i64, scratch_operands = 10 : i64, tpu.core_type = #tpu.core_type<sc_vector_subcore>, window_params = [{transform_indices = #map}, {transform_indices = #map1}, {transform_indices = #map1}]} {
    %mul3A = arith.constant 2 : i32
    %mul3A_0 = arith.muli %arg1, %mul3A : i32
    %add3A = arith.addi %mul3A_0, %arg0 : i32
    %mul3A_1 = arith.constant 512 : i32
    %mul3A_2 = arith.muli %add3A, %mul3A_1 : i32
    "tpu.region"() ({
      %run_scoped3A = tpu.sem_alloc : memref<!tpu.dma_semaphore, #tpu.memory_space<semaphore_mem>>
      %dma_start3A_55 = tpu.memref_slice %arg2[%mul3A_2] : memref<16384xi32, #tpu.memory_space<hbm>> -> memref<512xi32, #tpu.memory_space<hbm>>
      %dma_start3A_56 = tpu.memref_slice %arg2[%mul3A_2] : memref<16384xi32, #tpu.memory_space<hbm>> -> memref<512xi32, #tpu.memory_space<hbm>>
      tpu.enqueue_dma source(%dma_start3A_56 : memref<512xi32, #tpu.memory_space<hbm>>) target(%arg5 : memref<512xi32, #tpu.memory_space<vmem>>) target_semaphore(%run_scoped3A : memref<!tpu.dma_semaphore, #tpu.memory_space<semaphore_mem>>)
      %dma_wait3A_57 = tpu.memref_slice %arg2[%mul3A_2] : memref<16384xi32, #tpu.memory_space<hbm>> -> memref<512xi32, #tpu.memory_space<hbm>>
      %dma_wait3A_58 = tpu.memref_slice %arg2[%mul3A_2] : memref<16384xi32, #tpu.memory_space<hbm>> -> memref<512xi32, #tpu.memory_space<hbm>>
      tpu.wait_dma2 semaphore(%run_scoped3A : memref<!tpu.dma_semaphore, #tpu.memory_space<semaphore_mem>>) src(%dma_wait3A_58 : memref<512xi32, #tpu.memory_space<hbm>>) dst(%arg5 : memref<512xi32, #tpu.memory_space<vmem>>)
      tpu.yield
    }) : () -> ()
    %dma_start3A = arith.constant 0 : i32
    %dma_start3A_3 = tpu.memref_slice %arg5[%dma_start3A] : memref<512xi32, #tpu.memory_space<vmem>> -> memref<16xi32, #tpu.memory_space<vmem>>
    %dma_start3A_4 = arith.constant 0 : i32
    %dma_start3A_5 = arith.constant 0 : i32
    %dma_start3A_6 = tpu.memref_slice %arg3[%dma_start3A_4, %dma_start3A_5] : memref<100000x2048xf32, #tpu.memory_space<hbm>> -> memref<100000x2048xf32, #tpu.memory_space<hbm>>
    tpu.enqueue_indirect_dma source(%dma_start3A_6 : memref<100000x2048xf32, #tpu.memory_space<hbm>>) target(%arg6 : memref<16x2048xf32, #tpu.memory_space<vmem>>) offsets(%dma_start3A_3 : memref<16xi32, #tpu.memory_space<vmem>>) semaphore(%arg9 : memref<!tpu.dma_semaphore, #tpu.memory_space<semaphore_mem>>)
    %dma_start3A_7 = arith.constant 16 : i32
    %dma_start3A_8 = tpu.memref_slice %arg5[%dma_start3A_7] : memref<512xi32, #tpu.memory_space<vmem>> -> memref<16xi32, #tpu.memory_space<vmem>>
    %dma_start3A_9 = arith.constant 0 : i32
    %dma_start3A_10 = arith.constant 0 : i32
    %dma_start3A_11 = tpu.memref_slice %arg3[%dma_start3A_9, %dma_start3A_10] : memref<100000x2048xf32, #tpu.memory_space<hbm>> -> memref<100000x2048xf32, #tpu.memory_space<hbm>>
    tpu.enqueue_indirect_dma source(%dma_start3A_11 : memref<100000x2048xf32, #tpu.memory_space<hbm>>) target(%arg7 : memref<16x2048xf32, #tpu.memory_space<vmem>>) offsets(%dma_start3A_8 : memref<16xi32, #tpu.memory_space<vmem>>) semaphore(%arg10 : memref<!tpu.dma_semaphore, #tpu.memory_space<semaphore_mem>>)
    %scan3A = arith.constant 0 : i32
    %scan3A_12 = arith.constant 10 : i32
    %scan3A_13 = arith.addi %scan3A, %scan3A_12 : i32
    %scan3A_14 = arith.constant 1 : i32
    scf.for %scan3A_55 = %scan3A to %scan3A_13 step %scan3A_14  : i32 {
      %mul3A_56 = arith.constant 3 : i32
      %mul3A_57 = arith.muli %scan3A_55, %mul3A_56 : i32
      %add3A_58 = arith.constant 0 : i32
      %add3A_59 = arith.addi %add3A_58, %mul3A_57 : i32
      %add3A_60 = arith.constant 0 : i32
      %add3A_61 = arith.addi %add3A_59, %add3A_60 : i32
      %mul3A_62 = arith.constant 16 : i32
      %mul3A_63 = arith.muli %add3A_61, %mul3A_62 : i32
      %dma_wait3A_64 = tpu.memref_slice %arg5[%mul3A_63] : memref<512xi32, #tpu.memory_space<vmem>> -> memref<16xi32, #tpu.memory_space<vmem>>
      %dma_wait3A_65 = arith.constant 0 : i32
      %dma_wait3A_66 = arith.constant 0 : i32
      %dma_wait3A_67 = tpu.memref_slice %arg3[%dma_wait3A_65, %dma_wait3A_66] : memref<100000x2048xf32, #tpu.memory_space<hbm>> -> memref<100000x2048xf32, #tpu.memory_space<hbm>>
      tpu.wait_indirect_dma semaphore(%arg9 : memref<!tpu.dma_semaphore, #tpu.memory_space<semaphore_mem>>) src(%dma_wait3A_67 : memref<100000x2048xf32, #tpu.memory_space<hbm>>) dst(%arg6 : memref<16x2048xf32, #tpu.memory_space<vmem>>)
      %mul3A_68 = arith.constant 16 : i32
      %mul3A_69 = arith.muli %add3A_61, %mul3A_68 : i32
      %add3A_70 = arith.addi %mul3A_2, %mul3A_69 : i32
      %dma_start3A_71 = arith.constant 0 : i32
      %dma_start3A_72 = tpu.memref_slice %arg4[%add3A_70, %dma_start3A_71] : memref<16384x2048xf32, #tpu.memory_space<hbm>> -> memref<16x2048xf32, #tpu.memory_space<hbm>>
      %dma_start3A_73 = arith.constant 0 : i32
      %dma_start3A_74 = tpu.memref_slice %arg4[%add3A_70, %dma_start3A_73] : memref<16384x2048xf32, #tpu.memory_space<hbm>> -> memref<16x2048xf32, #tpu.memory_space<hbm>>
      tpu.enqueue_dma source(%arg6 : memref<16x2048xf32, #tpu.memory_space<vmem>>) target(%dma_start3A_74 : memref<16x2048xf32, #tpu.memory_space<hbm>>) target_semaphore(%arg12 : memref<!tpu.dma_semaphore, #tpu.memory_space<semaphore_mem>>)
      %gt3A = arith.constant 0 : i32
      %gt3A_75 = arith.cmpi sgt, %add3A_61, %gt3A : i32
      %convert_element_type3A = arith.extui %gt3A_75 : i1 to i32
      %cond3A = arith.constant 0 : i32
      %cond3A_76 = arith.cmpi ne, %convert_element_type3A, %cond3A : i32
      scf.if %cond3A_76 {
        %sub3A_142 = arith.constant 1 : i32
        %sub3A_143 = arith.subi %add3A_61, %sub3A_142 : i32
        %mul3A_144 = arith.constant 16 : i32
        %mul3A_145 = arith.muli %sub3A_143, %mul3A_144 : i32
        %add3A_146 = arith.addi %mul3A_2, %mul3A_145 : i32
        %dma_wait3A_147 = arith.constant 0 : i32
        %dma_wait3A_148 = tpu.memref_slice %arg4[%add3A_146, %dma_wait3A_147] : memref<16384x2048xf32, #tpu.memory_space<hbm>> -> memref<16x2048xf32, #tpu.memory_space<hbm>>
        %dma_wait3A_149 = arith.constant 0 : i32
        %dma_wait3A_150 = tpu.memref_slice %arg4[%add3A_146, %dma_wait3A_149] : memref<16384x2048xf32, #tpu.memory_space<hbm>> -> memref<16x2048xf32, #tpu.memory_space<hbm>>
        tpu.wait_dma2 semaphore(%arg14 : memref<!tpu.dma_semaphore, #tpu.memory_space<semaphore_mem>>) src(%arg8 : memref<16x2048xf32, #tpu.memory_space<vmem>>) dst(%dma_wait3A_150 : memref<16x2048xf32, #tpu.memory_space<hbm>>)
      } else {
      }
      %add3A_77 = arith.constant 3 : i32
      %add3A_78 = arith.addi %add3A_61, %add3A_77 : i32
      %sub3A = arith.constant 1 : i32
      %sub3A_79 = arith.subi %add3A_78, %sub3A : i32
      %lt3A = arith.constant 32 : i32
      %lt3A_80 = arith.cmpi slt, %sub3A_79, %lt3A : i32
      %convert_element_type3A_81 = arith.extui %lt3A_80 : i1 to i32
      %cond3A_82 = arith.constant 0 : i32
      %cond3A_83 = arith.cmpi ne, %convert_element_type3A_81, %cond3A_82 : i32
      scf.if %cond3A_83 {
        %add3A_142 = arith.constant 3 : i32
        %add3A_143 = arith.addi %add3A_61, %add3A_142 : i32
        %sub3A_144 = arith.constant 1 : i32
        %sub3A_145 = arith.subi %add3A_143, %sub3A_144 : i32
        %mul3A_146 = arith.constant 16 : i32
        %mul3A_147 = arith.muli %sub3A_145, %mul3A_146 : i32
        %dma_start3A_148 = tpu.memref_slice %arg5[%mul3A_147] : memref<512xi32, #tpu.memory_space<vmem>> -> memref<16xi32, #tpu.memory_space<vmem>>
        %dma_start3A_149 = arith.constant 0 : i32
        %dma_start3A_150 = arith.constant 0 : i32
        %dma_start3A_151 = tpu.memref_slice %arg3[%dma_start3A_149, %dma_start3A_150] : memref<100000x2048xf32, #tpu.memory_space<hbm>> -> memref<100000x2048xf32, #tpu.memory_space<hbm>>
        tpu.enqueue_indirect_dma source(%dma_start3A_151 : memref<100000x2048xf32, #tpu.memory_space<hbm>>) target(%arg8 : memref<16x2048xf32, #tpu.memory_space<vmem>>) offsets(%dma_start3A_148 : memref<16xi32, #tpu.memory_space<vmem>>) semaphore(%arg11 : memref<!tpu.dma_semaphore, #tpu.memory_space<semaphore_mem>>)
      } else {
      }
      %add3A_84 = arith.constant 1 : i32
      %add3A_85 = arith.addi %add3A_59, %add3A_84 : i32
      %mul3A_86 = arith.constant 16 : i32
      %mul3A_87 = arith.muli %add3A_85, %mul3A_86 : i32
      %dma_wait3A_88 = tpu.memref_slice %arg5[%mul3A_87] : memref<512xi32, #tpu.memory_space<vmem>> -> memref<16xi32, #tpu.memory_space<vmem>>
      %dma_wait3A_89 = arith.constant 0 : i32
      %dma_wait3A_90 = arith.constant 0 : i32
      %dma_wait3A_91 = tpu.memref_slice %arg3[%dma_wait3A_89, %dma_wait3A_90] : memref<100000x2048xf32, #tpu.memory_space<hbm>> -> memref<100000x2048xf32, #tpu.memory_space<hbm>>
      tpu.wait_indirect_dma semaphore(%arg10 : memref<!tpu.dma_semaphore, #tpu.memory_space<semaphore_mem>>) src(%dma_wait3A_91 : memref<100000x2048xf32, #tpu.memory_space<hbm>>) dst(%arg7 : memref<16x2048xf32, #tpu.memory_space<vmem>>)
      %mul3A_92 = arith.constant 16 : i32
      %mul3A_93 = arith.muli %add3A_85, %mul3A_92 : i32
      %add3A_94 = arith.addi %mul3A_2, %mul3A_93 : i32
      %dma_start3A_95 = arith.constant 0 : i32
      %dma_start3A_96 = tpu.memref_slice %arg4[%add3A_94, %dma_start3A_95] : memref<16384x2048xf32, #tpu.memory_space<hbm>> -> memref<16x2048xf32, #tpu.memory_space<hbm>>
      %dma_start3A_97 = arith.constant 0 : i32
      %dma_start3A_98 = tpu.memref_slice %arg4[%add3A_94, %dma_start3A_97] : memref<16384x2048xf32, #tpu.memory_space<hbm>> -> memref<16x2048xf32, #tpu.memory_space<hbm>>
      tpu.enqueue_dma source(%arg7 : memref<16x2048xf32, #tpu.memory_space<vmem>>) target(%dma_start3A_98 : memref<16x2048xf32, #tpu.memory_space<hbm>>) target_semaphore(%arg13 : memref<!tpu.dma_semaphore, #tpu.memory_space<semaphore_mem>>)
      %gt3A_99 = arith.constant 0 : i32
      %gt3A_100 = arith.cmpi sgt, %add3A_85, %gt3A_99 : i32
      %convert_element_type3A_101 = arith.extui %gt3A_100 : i1 to i32
      %cond3A_102 = arith.constant 0 : i32
      %cond3A_103 = arith.cmpi ne, %convert_element_type3A_101, %cond3A_102 : i32
      scf.if %cond3A_103 {
        %sub3A_142 = arith.constant 1 : i32
        %sub3A_143 = arith.subi %add3A_85, %sub3A_142 : i32
        %mul3A_144 = arith.constant 16 : i32
        %mul3A_145 = arith.muli %sub3A_143, %mul3A_144 : i32
        %add3A_146 = arith.addi %mul3A_2, %mul3A_145 : i32
        %dma_wait3A_147 = arith.constant 0 : i32
        %dma_wait3A_148 = tpu.memref_slice %arg4[%add3A_146, %dma_wait3A_147] : memref<16384x2048xf32, #tpu.memory_space<hbm>> -> memref<16x2048xf32, #tpu.memory_space<hbm>>
        %dma_wait3A_149 = arith.constant 0 : i32
        %dma_wait3A_150 = tpu.memref_slice %arg4[%add3A_146, %dma_wait3A_149] : memref<16384x2048xf32, #tpu.memory_space<hbm>> -> memref<16x2048xf32, #tpu.memory_space<hbm>>
        tpu.wait_dma2 semaphore(%arg12 : memref<!tpu.dma_semaphore, #tpu.memory_space<semaphore_mem>>) src(%arg6 : memref<16x2048xf32, #tpu.memory_space<vmem>>) dst(%dma_wait3A_150 : memref<16x2048xf32, #tpu.memory_space<hbm>>)
      } else {
      }
      %add3A_104 = arith.constant 3 : i32
      %add3A_105 = arith.addi %add3A_85, %add3A_104 : i32
      %sub3A_106 = arith.constant 1 : i32
      %sub3A_107 = arith.subi %add3A_105, %sub3A_106 : i32
      %lt3A_108 = arith.constant 32 : i32
      %lt3A_109 = arith.cmpi slt, %sub3A_107, %lt3A_108 : i32
      %convert_element_type3A_110 = arith.extui %lt3A_109 : i1 to i32
      %cond3A_111 = arith.constant 0 : i32
      %cond3A_112 = arith.cmpi ne, %convert_element_type3A_110, %cond3A_111 : i32
      scf.if %cond3A_112 {
        %add3A_142 = arith.constant 3 : i32
        %add3A_143 = arith.addi %add3A_85, %add3A_142 : i32
        %sub3A_144 = arith.constant 1 : i32
        %sub3A_145 = arith.subi %add3A_143, %sub3A_144 : i32
        %mul3A_146 = arith.constant 16 : i32
        %mul3A_147 = arith.muli %sub3A_145, %mul3A_146 : i32
        %dma_start3A_148 = tpu.memref_slice %arg5[%mul3A_147] : memref<512xi32, #tpu.memory_space<vmem>> -> memref<16xi32, #tpu.memory_space<vmem>>
        %dma_start3A_149 = arith.constant 0 : i32
        %dma_start3A_150 = arith.constant 0 : i32
        %dma_start3A_151 = tpu.memref_slice %arg3[%dma_start3A_149, %dma_start3A_150] : memref<100000x2048xf32, #tpu.memory_space<hbm>> -> memref<100000x2048xf32, #tpu.memory_space<hbm>>
        tpu.enqueue_indirect_dma source(%dma_start3A_151 : memref<100000x2048xf32, #tpu.memory_space<hbm>>) target(%arg6 : memref<16x2048xf32, #tpu.memory_space<vmem>>) offsets(%dma_start3A_148 : memref<16xi32, #tpu.memory_space<vmem>>) semaphore(%arg9 : memref<!tpu.dma_semaphore, #tpu.memory_space<semaphore_mem>>)
      } else {
      }
      %add3A_113 = arith.constant 2 : i32
      %add3A_114 = arith.addi %add3A_59, %add3A_113 : i32
      %mul3A_115 = arith.constant 16 : i32
      %mul3A_116 = arith.muli %add3A_114, %mul3A_115 : i32
      %dma_wait3A_117 = tpu.memref_slice %arg5[%mul3A_116] : memref<512xi32, #tpu.memory_space<vmem>> -> memref<16xi32, #tpu.memory_space<vmem>>
      %dma_wait3A_118 = arith.constant 0 : i32
      %dma_wait3A_119 = arith.constant 0 : i32
      %dma_wait3A_120 = tpu.memref_slice %arg3[%dma_wait3A_118, %dma_wait3A_119] : memref<100000x2048xf32, #tpu.memory_space<hbm>> -> memref<100000x2048xf32, #tpu.memory_space<hbm>>
      tpu.wait_indirect_dma semaphore(%arg11 : memref<!tpu.dma_semaphore, #tpu.memory_space<semaphore_mem>>) src(%dma_wait3A_120 : memref<100000x2048xf32, #tpu.memory_space<hbm>>) dst(%arg8 : memref<16x2048xf32, #tpu.memory_space<vmem>>)
      %mul3A_121 = arith.constant 16 : i32
      %mul3A_122 = arith.muli %add3A_114, %mul3A_121 : i32
      %add3A_123 = arith.addi %mul3A_2, %mul3A_122 : i32
      %dma_start3A_124 = arith.constant 0 : i32
      %dma_start3A_125 = tpu.memref_slice %arg4[%add3A_123, %dma_start3A_124] : memref<16384x2048xf32, #tpu.memory_space<hbm>> -> memref<16x2048xf32, #tpu.memory_space<hbm>>
      %dma_start3A_126 = arith.constant 0 : i32
      %dma_start3A_127 = tpu.memref_slice %arg4[%add3A_123, %dma_start3A_126] : memref<16384x2048xf32, #tpu.memory_space<hbm>> -> memref<16x2048xf32, #tpu.memory_space<hbm>>
      tpu.enqueue_dma source(%arg8 : memref<16x2048xf32, #tpu.memory_space<vmem>>) target(%dma_start3A_127 : memref<16x2048xf32, #tpu.memory_space<hbm>>) target_semaphore(%arg14 : memref<!tpu.dma_semaphore, #tpu.memory_space<semaphore_mem>>)
      %gt3A_128 = arith.constant 0 : i32
      %gt3A_129 = arith.cmpi sgt, %add3A_114, %gt3A_128 : i32
      %convert_element_type3A_130 = arith.extui %gt3A_129 : i1 to i32
      %cond3A_131 = arith.constant 0 : i32
      %cond3A_132 = arith.cmpi ne, %convert_element_type3A_130, %cond3A_131 : i32
      scf.if %cond3A_132 {
        %sub3A_142 = arith.constant 1 : i32
        %sub3A_143 = arith.subi %add3A_114, %sub3A_142 : i32
        %mul3A_144 = arith.constant 16 : i32
        %mul3A_145 = arith.muli %sub3A_143, %mul3A_144 : i32
        %add3A_146 = arith.addi %mul3A_2, %mul3A_145 : i32
        %dma_wait3A_147 = arith.constant 0 : i32
        %dma_wait3A_148 = tpu.memref_slice %arg4[%add3A_146, %dma_wait3A_147] : memref<16384x2048xf32, #tpu.memory_space<hbm>> -> memref<16x2048xf32, #tpu.memory_space<hbm>>
        %dma_wait3A_149 = arith.constant 0 : i32
        %dma_wait3A_150 = tpu.memref_slice %arg4[%add3A_146, %dma_wait3A_149] : memref<16384x2048xf32, #tpu.memory_space<hbm>> -> memref<16x2048xf32, #tpu.memory_space<hbm>>
        tpu.wait_dma2 semaphore(%arg13 : memref<!tpu.dma_semaphore, #tpu.memory_space<semaphore_mem>>) src(%arg7 : memref<16x2048xf32, #tpu.memory_space<vmem>>) dst(%dma_wait3A_150 : memref<16x2048xf32, #tpu.memory_space<hbm>>)
      } else {
      }
      %add3A_133 = arith.constant 3 : i32
      %add3A_134 = arith.addi %add3A_114, %add3A_133 : i32
      %sub3A_135 = arith.constant 1 : i32
      %sub3A_136 = arith.subi %add3A_134, %sub3A_135 : i32
      %lt3A_137 = arith.constant 32 : i32
      %lt3A_138 = arith.cmpi slt, %sub3A_136, %lt3A_137 : i32
      %convert_element_type3A_139 = arith.extui %lt3A_138 : i1 to i32
      %cond3A_140 = arith.constant 0 : i32
      %cond3A_141 = arith.cmpi ne, %convert_element_type3A_139, %cond3A_140 : i32
      scf.if %cond3A_141 {
        %add3A_142 = arith.constant 3 : i32
        %add3A_143 = arith.addi %add3A_114, %add3A_142 : i32
        %sub3A_144 = arith.constant 1 : i32
        %sub3A_145 = arith.subi %add3A_143, %sub3A_144 : i32
        %mul3A_146 = arith.constant 16 : i32
        %mul3A_147 = arith.muli %sub3A_145, %mul3A_146 : i32
        %dma_start3A_148 = tpu.memref_slice %arg5[%mul3A_147] : memref<512xi32, #tpu.memory_space<vmem>> -> memref<16xi32, #tpu.memory_space<vmem>>
        %dma_start3A_149 = arith.constant 0 : i32
        %dma_start3A_150 = arith.constant 0 : i32
        %dma_start3A_151 = tpu.memref_slice %arg3[%dma_start3A_149, %dma_start3A_150] : memref<100000x2048xf32, #tpu.memory_space<hbm>> -> memref<100000x2048xf32, #tpu.memory_space<hbm>>
        tpu.enqueue_indirect_dma source(%dma_start3A_151 : memref<100000x2048xf32, #tpu.memory_space<hbm>>) target(%arg7 : memref<16x2048xf32, #tpu.memory_space<vmem>>) offsets(%dma_start3A_148 : memref<16xi32, #tpu.memory_space<vmem>>) semaphore(%arg10 : memref<!tpu.dma_semaphore, #tpu.memory_space<semaphore_mem>>)
      } else {
      }
    }
    %scan3A_15 = arith.constant 10 : i32
    %dma_wait3A = arith.constant 480 : i32
    %dma_wait3A_16 = tpu.memref_slice %arg5[%dma_wait3A] : memref<512xi32, #tpu.memory_space<vmem>> -> memref<16xi32, #tpu.memory_space<vmem>>
    %dma_wait3A_17 = arith.constant 0 : i32
    %dma_wait3A_18 = arith.constant 0 : i32
    %dma_wait3A_19 = tpu.memref_slice %arg3[%dma_wait3A_17, %dma_wait3A_18] : memref<100000x2048xf32, #tpu.memory_space<hbm>> -> memref<100000x2048xf32, #tpu.memory_space<hbm>>
    tpu.wait_indirect_dma semaphore(%arg9 : memref<!tpu.dma_semaphore, #tpu.memory_space<semaphore_mem>>) src(%dma_wait3A_19 : memref<100000x2048xf32, #tpu.memory_space<hbm>>) dst(%arg6 : memref<16x2048xf32, #tpu.memory_space<vmem>>)
    %add3A_20 = arith.constant 480 : i32
    %add3A_21 = arith.addi %mul3A_2, %add3A_20 : i32
    %dma_start3A_22 = arith.constant 0 : i32
    %dma_start3A_23 = tpu.memref_slice %arg4[%add3A_21, %dma_start3A_22] : memref<16384x2048xf32, #tpu.memory_space<hbm>> -> memref<16x2048xf32, #tpu.memory_space<hbm>>
    %dma_start3A_24 = arith.constant 0 : i32
    %dma_start3A_25 = tpu.memref_slice %arg4[%add3A_21, %dma_start3A_24] : memref<16384x2048xf32, #tpu.memory_space<hbm>> -> memref<16x2048xf32, #tpu.memory_space<hbm>>
    tpu.enqueue_dma source(%arg6 : memref<16x2048xf32, #tpu.memory_space<vmem>>) target(%dma_start3A_25 : memref<16x2048xf32, #tpu.memory_space<hbm>>) target_semaphore(%arg12 : memref<!tpu.dma_semaphore, #tpu.memory_space<semaphore_mem>>)
    %add3A_26 = arith.constant 464 : i32
    %add3A_27 = arith.addi %mul3A_2, %add3A_26 : i32
    %dma_wait3A_28 = arith.constant 0 : i32
    %dma_wait3A_29 = tpu.memref_slice %arg4[%add3A_27, %dma_wait3A_28] : memref<16384x2048xf32, #tpu.memory_space<hbm>> -> memref<16x2048xf32, #tpu.memory_space<hbm>>
    %dma_wait3A_30 = arith.constant 0 : i32
    %dma_wait3A_31 = tpu.memref_slice %arg4[%add3A_27, %dma_wait3A_30] : memref<16384x2048xf32, #tpu.memory_space<hbm>> -> memref<16x2048xf32, #tpu.memory_space<hbm>>
    tpu.wait_dma2 semaphore(%arg14 : memref<!tpu.dma_semaphore, #tpu.memory_space<semaphore_mem>>) src(%arg8 : memref<16x2048xf32, #tpu.memory_space<vmem>>) dst(%dma_wait3A_31 : memref<16x2048xf32, #tpu.memory_space<hbm>>)
    %dma_wait3A_32 = arith.constant 496 : i32
    %dma_wait3A_33 = tpu.memref_slice %arg5[%dma_wait3A_32] : memref<512xi32, #tpu.memory_space<vmem>> -> memref<16xi32, #tpu.memory_space<vmem>>
    %dma_wait3A_34 = arith.constant 0 : i32
    %dma_wait3A_35 = arith.constant 0 : i32
    %dma_wait3A_36 = tpu.memref_slice %arg3[%dma_wait3A_34, %dma_wait3A_35] : memref<100000x2048xf32, #tpu.memory_space<hbm>> -> memref<100000x2048xf32, #tpu.memory_space<hbm>>
    tpu.wait_indirect_dma semaphore(%arg10 : memref<!tpu.dma_semaphore, #tpu.memory_space<semaphore_mem>>) src(%dma_wait3A_36 : memref<100000x2048xf32, #tpu.memory_space<hbm>>) dst(%arg7 : memref<16x2048xf32, #tpu.memory_space<vmem>>)
    %add3A_37 = arith.constant 496 : i32
    %add3A_38 = arith.addi %mul3A_2, %add3A_37 : i32
    %dma_start3A_39 = arith.constant 0 : i32
    %dma_start3A_40 = tpu.memref_slice %arg4[%add3A_38, %dma_start3A_39] : memref<16384x2048xf32, #tpu.memory_space<hbm>> -> memref<16x2048xf32, #tpu.memory_space<hbm>>
    %dma_start3A_41 = arith.constant 0 : i32
    %dma_start3A_42 = tpu.memref_slice %arg4[%add3A_38, %dma_start3A_41] : memref<16384x2048xf32, #tpu.memory_space<hbm>> -> memref<16x2048xf32, #tpu.memory_space<hbm>>
    tpu.enqueue_dma source(%arg7 : memref<16x2048xf32, #tpu.memory_space<vmem>>) target(%dma_start3A_42 : memref<16x2048xf32, #tpu.memory_space<hbm>>) target_semaphore(%arg13 : memref<!tpu.dma_semaphore, #tpu.memory_space<semaphore_mem>>)
    %add3A_43 = arith.constant 480 : i32
    %add3A_44 = arith.addi %mul3A_2, %add3A_43 : i32
    %dma_wait3A_45 = arith.constant 0 : i32
    %dma_wait3A_46 = tpu.memref_slice %arg4[%add3A_44, %dma_wait3A_45] : memref<16384x2048xf32, #tpu.memory_space<hbm>> -> memref<16x2048xf32, #tpu.memory_space<hbm>>
    %dma_wait3A_47 = arith.constant 0 : i32
    %dma_wait3A_48 = tpu.memref_slice %arg4[%add3A_44, %dma_wait3A_47] : memref<16384x2048xf32, #tpu.memory_space<hbm>> -> memref<16x2048xf32, #tpu.memory_space<hbm>>
    tpu.wait_dma2 semaphore(%arg12 : memref<!tpu.dma_semaphore, #tpu.memory_space<semaphore_mem>>) src(%arg6 : memref<16x2048xf32, #tpu.memory_space<vmem>>) dst(%dma_wait3A_48 : memref<16x2048xf32, #tpu.memory_space<hbm>>)
    %add3A_49 = arith.constant 496 : i32
    %add3A_50 = arith.addi %mul3A_2, %add3A_49 : i32
    %dma_wait3A_51 = arith.constant 0 : i32
    %dma_wait3A_52 = tpu.memref_slice %arg4[%add3A_50, %dma_wait3A_51] : memref<16384x2048xf32, #tpu.memory_space<hbm>> -> memref<16x2048xf32, #tpu.memory_space<hbm>>
    %dma_wait3A_53 = arith.constant 0 : i32
    %dma_wait3A_54 = tpu.memref_slice %arg4[%add3A_50, %dma_wait3A_53] : memref<16384x2048xf32, #tpu.memory_space<hbm>> -> memref<16x2048xf32, #tpu.memory_space<hbm>>
    tpu.wait_dma2 semaphore(%arg13 : memref<!tpu.dma_semaphore, #tpu.memory_space<semaphore_mem>>) src(%arg7 : memref<16x2048xf32, #tpu.memory_space<vmem>>) dst(%dma_wait3A_54 : memref<16x2048xf32, #tpu.memory_space<hbm>>)
    return
  }
}

</mosaic_0001>

<sc_bundles>
// kernel: kernel.3.cloned.1.call-start
scs
__scs_entry_jumppad:
0x0: {  	(pc) =	sbr.rel $0x88, $3  }
0x1: {  	(tag) =	ssettag $0x0;
	lr =	simm.s32 $0x1  }
0x2: {  	[smem:$0x3F9F] =	sst lr;
	_ =	strace $0xD0000000  }
0x3: {  	_ = 	snop  }
0x4: {  	_ = 	snop  }
0x5: {  	_ = 	snop  }
0x6: {  	_ = 	snop  }
0x7: {  	_ = 	snop  }
__scs_overlays_trampoline_lowered:
0x8: {  	[smem:$0x3FAE] =	sst s0  }
0x9: {  	[smem:$0x3FAF] =	sst s1  }
0xa: {  	[smem:$0x3FB0] =	sst s2  }
0xb: {  	[smem:$0x3FB1] =	sst s3  }
0xc: {  	[smem:$0x3FB2] =	sst s4  }
0xd: {  	[smem:$0x3FB3] =	sst s5  }
0xe: {  	[smem:$0x3FB4] =	sst s6  }
0xf: {  	[smem:$0x3FB5] =	sst s7  }
0x10: {  	[smem:$0x3FB6] =	sst s8  }
0x11: {  	[smem:$0x3FB7] =	sst s9;
	s0 =	simm.s32 @!p0 $0x0  }
0x12: {  	s1 =	sld [smem:$0x3F9D];
	s0 =	simm.s32 @p0 $0x1  }
0x13: {  	[smem:$0x3FB8] =	sst s0;
	s0 =	simm.s32 @!p1 $0x0  }
0x14: {  	s2 =	sld [smem:$0x3F9C];
	s0 =	simm.s32 @p1 $0x1  }
0x15: {  	[smem:$0x3FB9] =	sst s0;
	s0 =	simm.s32 @!p2 $0x0  }
0x16: {  	s3 =	sld [smem:$0x3FDB];
	s0 =	simm.s32 @p2 $0x1  }
0x17: {  	s4 =	simm.s32 $0x1BF5;
	[smem:$0x3FBB] =	sst s0  }
0x18: {  	s0 =	sld [smem:$0x3F9E];
	_ =	swait.ge [sflag:s4], $0x0  }
0x19: {  	s7 =	sld [smem:$0x3F9F]  }
0x1a: {  	s8 =	sadd.s32 $0xFFFFE003, lr  }
0x1b: {  	s9 =	sadd.s32 $0xFFFFFEF7, lr;
	s5 =	simm.s32 $0xFFFFFFFF;
	p2 =	slt.u32 s8, $0xFFFFF086  }
0x1c: {  	p1 =	slt.u32 s9, $0xF7A;
	s5 =	simm.s32 @!p2 $0x0  }
0x1d: {  	s5 =	simm.s32 @p1 $0x1;
	p0 =	seq.s32 s7, s2  }
0x1e: {  	s7 =	smul.u32 @!p0 $0xF7A, s2;
	p2 =	seq.s32 @!p0 s5, $0x0  }
0x1f: {  	s9 =	smul.u32 $0xF7A, s1;
	s8 =	simm.s32 @!p0 $0x1BF5;
	p2 =	por !p2, p0  }
0x20: {  	[sflag:s8] =	ssyncset.s32 @!p0 $0xFFFFF086;
	s6 =	sadd.s32 @!p0 s3, s7;
	s7 =	simm.s32 @!p0 $0x108  }
0x21: {  	s3 =	sadd.s32 s3, s9;
	s6 =	sadd.s32 @!p0 $0x88, s6;
	s7 =	simm.s32 @p2 $0x1082  }
0x22: {  	[simem:s7], [sflag:s8] =	dma.local @!p0 [hbm:s6], $0xF7A  }
0x23: {  	s9 =	sor.u32 $0xD0000000, s2;
	s6 =	simm.s32 $0x108;
	_ =	swait.ge @!p0 [sflag:s8], $0x0  }
0x24: {  	s3 =	sadd.s32 $0x88, s3;
	s6 =	simm.s32 @!p1 $0x1082;
	[sflag:s4] =	ssyncset.s32 $0xFFFFF086  }
0x25: {  	[simem:s6], [sflag:s4] =	dma.local [hbm:s3], $0xF7A  }
0x26: {  	[smem:$0x3F9F] =	sst s1;
	(tag) =	ssettag s2;
	_ =	strace s9  }
0x27: {  	s1 =	sld [smem:$0x3FAF]  }
0x28: {  	s2 =	sld [smem:$0x3FB0]  }
0x29: {  	s4 =	sld [smem:$0x3FB2]  }
0x2a: {  	p0 =	seq.s32 s5, $0x0;
	s5 =	sld [smem:$0x3FB3]  }
0x2b: {  	s6 =	sld [smem:$0x3FB4]  }
0x2c: {  	s7 =	sld [smem:$0x3FB5]  }
0x2d: {  	s3 =	simm.s32 $0x108;
	s8 =	sld [smem:$0x3FB6]  }
0x2e: {  	s3 =	simm.s32 @!p0 $0x1082;
	s9 =	sld [smem:$0x3FB7]  }
0x2f: {  	lr =	sadd.s32 s0, s3;
	s0 =	sld [smem:$0x3FAE]  }
0x30: {  	s3 =	sld [smem:$0x3FB1]  }
0x31: {  	[smem:$0x3FBA] =	sst s10  }
0x32: {  	s10 =	sld [smem:$0x3FB8];
	_ =	sdelay $0x3  }
0x33: {  	p0 =	seq.s32 s10, $0x1;
	s10 =	sld [smem:$0x3FBA];
	_ =	sdelay $0x3  }
0x34: {  	[smem:$0x3FBA] =	sst s10  }
0x35: {  	s10 =	sld [smem:$0x3FB9];
	_ =	sdelay $0x3  }
0x36: {  	p1 =	seq.s32 s10, $0x1;
	s10 =	sld [smem:$0x3FBA];
	_ =	sdelay $0x3  }
0x37: {  	[smem:$0x3FBA] =	sst s10  }
0x38: {  	s10 =	sld [smem:$0x3FBB]  }
0x39: {  	_ = 	snop;
	(pc) =	sbr.ind lr, $3  }
0x3a: {  	_ = 	snop  }
0x3b: {  	_ = 	snop  }
0x3c: {  	p2 =	seq.s32 s10, $0x1;
	s10 =	sld [smem:$0x3FBA]  }
0x3d: {  	_ =	shalt  }
0x3e: {  	_ =	shalt  }
0x3f: {  	_ =	shalt  }
0x40: {  	_ =	shalt  }
0x41: {  	_ =	shalt  }
0x42: {  	_ =	shalt  }
0x43: {  	_ =	shalt  }
0x44: {  	_ =	shalt  }
0x45: {  	_ =	shalt  }
0x46: {  	_ =	shalt  }
0x47: {  	_ =	shalt  }
0x48: {  	_ =	shalt  }
0x49: {  	_ =	shalt  }
0x4a: {  	_ =	shalt  }
0x4b: {  	_ =	shalt  }
0x4c: {  	_ =	shalt  }
0x4d: {  	_ =	shalt  }
0x4e: {  	_ =	shalt  }
0x4f: {  	_ =	shalt  }
0x50: {  	_ =	shalt  }
0x51: {  	_ =	shalt  }
0x52: {  	_ =	shalt  }
0x53: {  	_ =	shalt  }
0x54: {  	_ =	shalt  }
0x55: {  	_ =	shalt  }
0x56: {  	_ =	shalt  }
0x57: {  	_ =	shalt  }
0x58: {  	_ =	shalt  }
0x59: {  	_ =	shalt  }
0x5a: {  	_ =	shalt  }
0x5b: {  	_ =	shalt  }
0x5c: {  	_ =	shalt  }
0x5d: {  	_ =	shalt  }
0x5e: {  	_ =	shalt  }
0x5f: {  	_ =	shalt  }
0x60: {  	_ =	shalt  }
0x61: {  	_ =	shalt  }
0x62: {  	_ =	shalt  }
0x63: {  	_ =	shalt  }
0x64: {  	_ =	shalt  }
0x65: {  	_ =	shalt  }
0x66: {  	_ =	shalt  }
0x67: {  	_ =	shalt  }
0x68: {  	_ =	shalt  }
0x69: {  	_ =	shalt  }
0x6a: {  	_ =	shalt  }
0x6b: {  	_ =	shalt  }
0x6c: {  	_ =	shalt  }
0x6d: {  	_ =	shalt  }
0x6e: {  	_ =	shalt  }
0x6f: {  	_ =	shalt  }
0x70: {  	_ =	shalt  }
0x71: {  	_ =	shalt  }
0x72: {  	_ =	shalt  }
0x73: {  	_ =	shalt  }
0x74: {  	_ =	shalt  }
0x75: {  	_ =	shalt  }
0x76: {  	_ =	shalt  }
0x77: {  	_ =	shalt  }
0x78: {  	_ =	shalt  }
0x79: {  	_ =	shalt  }
0x7a: {  	_ =	shalt  }
0x7b: {  	_ =	shalt  }
0x7c: {  	_ =	shalt  }
0x7d: {  	_ =	shalt  }
0x7e: {  	_ =	shalt  }
0x7f: {  	_ =	shalt  }
0x80: {  	_ =	shalt  }
0x81: {  	_ =	shalt  }
0x82: {  	_ =	shalt  }
0x83: {  	_ =	shalt  }
0x84: {  	_ =	shalt  }
0x85: {  	_ =	shalt  }
0x86: {  	_ =	shalt  }
0x87: {  	_ =	shalt  }
.Lfunc_end0:
.L_simem_size_0:
called_computation_lowered:
.L_overlay_start_0:
0x88: {  	s2 =	sld [smem:$0x3FD9]  }
0x89: {  	s3 =	sld [smem:$0x3FFE];
	_ =	sdelay $0x1  }
0x8a: {  	s1 =	srdreg.scid  }
0x8b: {  	s0 =	sand.u32 $0x1, s1  }
0x8c: {  	s17 =	sshll.u32 s0, $0xA;
	s2 =	sadd.s32 s3, s2  }
0x8d: {  	s2 =	sadd.s32 s2, s17  }
0x8e: {  	[smem:$0x3FC6] =	sst s2  }
0x8f: {  	_ = 	snop  }
0x90: {  	s2 =	sld [smem:$0x3FC8]  }
0x91: {  	s18 =	sld [smem:$0x3FD0];
	(tm) =	ssettm $0x1  }
0x92: {  	s4 =	sld [smem:$0x3FFB];
	_ =	sdelay $0x3  }
0x93: {  	_ =	strace s4  }
0x94: {  	s4 =	sld [smem:$0x3FFC];
	_ =	sdelay $0x3  }
0x95: {  	_ =	strace s4  }
0x96: {  	s4 =	sld [smem:$0x3FFD];
	_ =	sdelay $0x3  }
0x97: {  	_ =	strace s4  }
0x98: {  	_ =	strace $0x8FFFFFFF  }
0x99: {  	s19 =	sld [smem:$0x3FDB];
	_ =	sdelay $0x1  }
0x9a: {  	s5 =	simm.s32 $_scs_section_size  }
0x9b: {  	s6 =	simm.s32 $_size__tile_overlayer_lowered;
	s7 =	simm.s32 $_tile_overlayer_lowered  }
0x9c: {  	s22 =	simm.s32 $0x1BFF;
	s21 =	sshll.u32 s7, $0x1;
	s4 =	sadd.s32 s5, s19  }
0x9d: {  	s8 =	simm.s32 $0x0;
	s20 =	sshll.u32 s6, $0x1;
	s6 =	sadd.s32 s21, s4  }
0x9e: {  	[timem:s8], [sflag:s22] =	dma.local [hbm:s6], s20  }
0x9f: {  	_ =	swait.ge [sflag:s22], s20  }
0xa0: {  	s5 =	ssub.s32 $0x0, s20;
	[sflag:s22] =	ssyncset.done $0x0  }
0xa1: {  	[sflag:s22] =	ssyncadd.s32 s5;
	_ =	sdelay $0x1  }
0xa2: {  	s23 =	simm.s32 $0x1B8B  }
0xa3: {  	_ =	swait.ge [sflag:s23], $0x1  }
0xa4: {  	[sflag:s23] =	ssyncset.done $0x0  }
0xa5: {  	s25 =	simm.s32 $0x1B8E;
	s24 =	sld [smem:$0x3FFE];
	[sflag:s23] =	ssyncadd.s32 $0xFFFFFFFF  }
0xa6: {  	s26 =	simm.s32 $execute0_lowered;
	[smem:$0x3FD2] =	sst s25  }
0xa7: {  	s6 =	sshll.u32 s26, $0x1;
	_ =	strace $0x80000046;
	[dreg:$0x1] =	wrdreg $0xFFFFFFFF  }
0xa8: {  	s28 =	simm.s32 $_size_execute0_lowered;
	s4 =	sadd.s32 s4, s6;
	[dreg:$0x0] =	wrdreg $0x0  }
0xa9: {  	s6 =	sshll.u32 s28, $0x1;
	[dreg:$0x2] =	wrdreg s4  }
0xaa: {  	[dreg:$0x3] =	wrdreg s6  }
0xab: {  	[dreg:$0x4] =	wrdreg $0xC0  }
0xac: {  	_ =	task [dreg:s8], $0x5FFFF  }
0xad: {  	[dreg:$0x1] =	wrdreg $0xFFFFFFFF  }
0xae: {  	[dreg:$0x0] =	wrdreg $0x60  }
0xaf: {  	[dreg:$0x2] =	wrdreg s24  }
0xb0: {  	[dreg:$0x3] =	wrdreg s2  }
0xb1: {  	[dreg:$0x4] =	wrdreg s18  }
0xb2: {  	[dreg:$0x5] =	wrdreg $0x9  }
0xb3: {  	_ =	task.clear_ibuf [dreg:s8], $0x6FFFF;
	_ =	strace $0x90000046  }
0xb4: {  	s29 =	simm.s32 $0x9;
	_ =	strace $0x80000048  }
0xb5: {  	_ =	swait.ge [sflag:s29], $0x1  }
0xb6: {  	[sflag:s29] =	ssyncadd.s32 $0xFFFFFFFF  }
0xb7: {  	_ =	strace $0x90000048  }
0xb8: {  	_ =	sfence  }
0xb9: {  	s30 =	sld [smem:$0x0];
	_ =	sdelay $0x2  }
0xba: {  	s31 =	sshll.u32 s1, $0xD;
	s1 =	sshrl.u32 s1, $0x2  }
0xbb: {  	s3 =	sand.u32 $0x4000, s31;
	s1 =	sadd.s32 s1, s30  }
0xbc: {  	s0 =	sor.u32 s3, s0;
	s1 =	sshll.u32 s1, $0x11  }
0xbd: {  	s0 =	sor.u32 s1, s0  }
0xbe: {  	s0 =	sadd.s32 $0x8F2B, s0  }
0xbf: {  	[sflag:s0] =	ssyncadd.remote.s32 $0x1  }
0xc0: {  	_ =	sfence.sel $0xFFFF  }
0xc1: {  	[dreg:$0x0] =	wrdreg $0xFFFFFFFF;
	(pc) =	sbr.abs _section_cstart, $3  }
0xc2: {  	[dreg:$0x1] =	wrdreg $0xFFFFFFFF  }
0xc3: {  	_ =	task.clear_ibuf [dreg:s8], $0x2FFFF;
	_ =	strace $0x9FFFFFFF  }
0xc4: {  	(tm) =	ssettm $0x7FFFFFFF  }
0xc5: {  	_ =	shalt  }
tec
execute0_lowered:
.L_overlay_start_1:
0x0: {  	(tag) =	ssettag $0x1  }
0x1: {  	s0 =	rddreg [dreg:$0x0]  }
0x2: {  	s2 =	rddreg [dreg:$0x1];
	s1 =	srdreg.scid  }
0x3: {  	s4 =	rddreg [dreg:$0x2];
	s10 =	stileid.u32;
	s3 =	simm.s32 $0x0  }
0x4: {  	s24 =	simm.s32 $0x10A00;
	s26 =	simm.s32 $0x11200;
	s14 =	simm.s32 $0x12200  }
0x5: {  	s15 =	simm.s32 $0x12A00;
	s17 =	simm.s32 $0x13200;
	s18 =	simm.s32 $0x13A00  }
0x6: {  	s19 =	simm.s32 $0x14200;
	s28 =	simm.s32 $0x1;
	s29 =	simm.s32 $0x10200  }
0x7: {  	s30 =	simm.s32 $0x2;
	s31 =	simm.s32 $0x4;
	[smem:$0x7FF] =	sst s3  }
0x8: {  	s1 =	sand.u32 $0x1, s1;
	_ =	strace $0x80000047;
	[dreg:$0x6] =	wrdreg s24  }
0x9: {  	s5 =	sshll.u32 s10, $0xA;
	s21 =	sshll.u32 s10, $0x15;
	[dreg:$0x7] =	wrdreg s26  }
0xa: {  	s8 =	sadd.s32 $0x400, s2;
	s9 =	sadd.s32 $0x500, s2;
	[dreg:$0x9] =	wrdreg s14  }
0xb: {  	s10 =	sshll.u32 s10, $0x12;
	s6 =	sshll.u32 s1, $0x9;
	[dreg:$0xa] =	wrdreg s15  }
0xc: {  	s20 =	ssub.s32 $0x2, s1;
	s22 =	sshll.u32 s1, $0x14;
	[dreg:$0xb] =	wrdreg s17  }
0xd: {  	s11 =	sadd.s32 s10, s4;
	s1 =	sshll.u32 s1, $0x11;
	[dreg:$0xc] =	wrdreg s18  }
0xe: {  	s10 =	sadd.s32 $0x600, s2;
	s15 =	simm.s32 $0xA00;
	[dreg:$0xd] =	wrdreg s19  }
0xf: {  	s17 =	simm.s32 $0x1200;
	s14 =	simm.s32 $0x2200;
	s18 =	simm.s32 $0x2A00  }
0x10: {  	s24 =	simm.s32 $0x16A00;
	s19 =	simm.s32 $0x3200;
	s26 =	simm.s32 $0x17A00  }
0x11: {  	s12 =	sor.u32 s6, s5;
	s7 =	sshrl.u32 s20, $0x1;
	s5 =	sadd.s32 $0x100, s2  }
0x12: {  	s23 =	sadd.s32 s1, s11;
	s11 =	sadd.s32 $0x700, s2;
	[dreg:$0x12] =	wrdreg s24  }
0x13: {  	[dreg:$0x14] =	wrdreg s26;
	s24 =	simm.s32 $0x5A00;
	s26 =	simm.s32 $0x6A00  }
0x14: {  	s6 =	sshrl.u32 s12, $0x3;
	s13 =	ssub.s32 s20, s7;
	s7 =	sadd.s32 $0x300, s2  }
0x15: {  	[dreg:$0x5] =	wrdreg s23;
	s25 =	sshll.u32 s12, $0x8;
	s12 =	simm.s32 $0x11A00  }
0x16: {  	s20 =	simm.s32 $0x14A00;
	s23 =	simm.s32 $0x16200;
	[dreg:$0x8] =	wrdreg s12  }
0x17: {  	s0 =	sadd.s32 s6, s0;
	s6 =	sadd.s32 $0x200, s2;
	[dreg:$0xe] =	wrdreg s20  }
0x18: {  	s1 =	sadd.s32 s25, s4;
	s16 =	smax.u32 s13, $0x1;
	[dreg:$0x11] =	wrdreg s23  }
0x19: {  	s13 =	simm.s32 $0x1A00;
	s25 =	simm.s32 $0x17200;
	[dreg:$0x18] =	wrdreg s16  }
0x1a: {  	s20 =	simm.s32 $0x3A00;
	s0 =	sadd.s32 $0x400, s0;
	[dreg:$0x13] =	wrdreg s25  }
0x1b: {  	s12 =	simm.s32 $0x0;
	[dreg:$0x15] =	wrdreg s0;
	s0 =	sor.u32 s22, s21  }
0x1c: {  	[dreg:$0x19] =	wrdreg s12;
	s21 =	simm.s32 $0x15200;
	s0 =	sor.u32 $0x8000, s0  }
0x1d: {  	s22 =	simm.s32 $0x15A00;
	[dreg:$0xf] =	wrdreg s21;
	s0 =	sshrl.u32 s0, $0x3  }
0x1e: {  	s23 =	simm.s32 $0x5200;
	[dreg:$0x10] =	wrdreg s22;
	s0 =	sadd.s32 s0, s4  }
0x1f: {  	s16 =	simm.s32 $0x200;
	s4 =	sadd.s32 $0x1E000, s1;
	[dreg:$0x4] =	wrdreg s0  }
0x20: {  	v2 =	vlaneseq.u32;
	s25 =	simm.s32 $0x6200;
	s1 =	sadd.s32 $0x1F000, s1;
	[dreg:$0x16] =	wrdreg s4  }
0x21: {  	vm0 =	vmmov $0xffff;
	v1 =	vshrl.u32 v2, $0x3;
	s21 =	simm.s32 $0x4200;
	s22 =	simm.s32 $0x4A00;
	[dreg:$0x17] =	wrdreg s1  }
0x22: {  	v0 =	vand.u32 $0x7, v2;
	v2 =	vor.u32 $0x8, v2;
	v1 =	vmul.u32 $0x8, v1;
	s1 =	simm.s32 $0x8200;
	s0 =	simm.s32 $0x3;
	s4 =	simm.s32 $0x5  }
.LBB2_1:
0x23: {  	s12 =	rddreg [dreg:$0x15]  }
0x24: {  	[tilespmem:s3], [sflag:$0x7] =	stream.linear.gather [hbm4b:s12+s3], $0x200, $0x38;
	[tilespmem:$0x18200] =	vst v63  }
0x25: {  	s12 =	simm.s32 $0x7  }
0x26: {  	_ =	swait.ge [sflag:s12], $0x200  }
0x27: {  	[sflag:s12] =	ssyncset.done $0x0  }
0x28: {  	[sflag:s12] =	ssyncadd.s32 $0xFFFFFE00  }
0x29: {  	v3 =	vld [tilespmem:$0x0];
	_ =	sdelay $0x4  }
0x2a: {  	v4 =	vshll.u32 v3, $0x4  }
0x2b: {  	v3 =	vand.u32 $0x7, v3;
	v4 =	vand.u32 $0xFFFFFF80, v4  }
0x2c: {  	v3 =	vor.u32 v3, v4  }
0x2d: {  	v4 =	vperm.xlane v3, v0;
	_ =	sdelay $0x1  }
0x2e: {  	v4 =	vadd.s32 v1, v4;
	_ =	sdelay $0x4  }
0x2f: {  	[tilespmem:s16], [sflag:$0x1] =	stream.indirect_vreg.gather [hbm4b:s2+s3], $0x80, v4, vm0, $0xb8;
	[tilespmem:$0x18200] =	vst v63  }
0x30: {  	_ = 	snop  }
0x31: {  	[tilespmem:s15], [sflag:$0x1] =	stream.indirect_vreg.gather [hbm4b:s5+s3], $0x80, v4, vm0, $0xb8;
	[tilespmem:$0x18200] =	vst v63  }
0x32: {  	_ = 	snop  }
0x33: {  	[tilespmem:s17], [sflag:$0x1] =	stream.indirect_vreg.gather [hbm4b:s6+s3], $0x80, v4, vm0, $0xb8;
	[tilespmem:$0x18200] =	vst v63  }
0x34: {  	_ = 	snop  }
0x35: {  	[tilespmem:s13], [sflag:$0x1] =	stream.indirect_vreg.gather [hbm4b:s7+s3], $0x80, v4, vm0, $0xb8;
	[tilespmem:$0x18200] =	vst v63  }
0x36: {  	_ = 	snop  }
0x37: {  	[tilespmem:s14], [sflag:$0x1] =	stream.indirect_vreg.gather [hbm4b:s8+s3], $0x80, v4, vm0, $0xb8;
	[tilespmem:$0x18200] =	vst v63  }
0x38: {  	v3 =	vperm.xlane v3, v2  }
0x39: {  	[tilespmem:s18], [sflag:$0x1] =	stream.indirect_vreg.gather [hbm4b:s9+s3], $0x80, v4, vm0, $0xb8;
	[tilespmem:$0x18200] =	vst v63  }
0x3a: {  	v3 =	vadd.s32 v1, v3  }
0x3b: {  	[tilespmem:s19], [sflag:$0x1] =	stream.indirect_vreg.gather [hbm4b:s10+s3], $0x80, v4, vm0, $0xb8;
	[tilespmem:$0x18200] =	vst v63  }
0x3c: {  	_ = 	snop  }
0x3d: {  	[tilespmem:s20], [sflag:$0x1] =	stream.indirect_vreg.gather [hbm4b:s11+s3], $0x80, v4, vm0, $0xb8;
	[tilespmem:$0x18200] =	vst v63  }
0x3e: {  	_ = 	snop  }
0x3f: {  	[tilespmem:s21], [sflag:$0x1] =	stream.indirect_vreg.gather [hbm4b:s2+s3], $0x80, v3, vm0, $0xb8;
	[tilespmem:$0x18200] =	vst v63  }
0x40: {  	_ = 	snop  }
0x41: {  	[tilespmem:s22], [sflag:$0x1] =	stream.indirect_vreg.gather [hbm4b:s5+s3], $0x80, v3, vm0, $0xb8;
	[tilespmem:$0x18200] =	vst v63  }
0x42: {  	_ = 	snop  }
0x43: {  	[tilespmem:s23], [sflag:$0x1] =	stream.indirect_vreg.gather [hbm4b:s6+s3], $0x80, v3, vm0, $0xb8;
	[tilespmem:$0x18200] =	vst v63  }
0x44: {  	_ = 	snop  }
0x45: {  	[tilespmem:s24], [sflag:$0x1] =	stream.indirect_vreg.gather [hbm4b:s7+s3], $0x80, v3, vm0, $0xb8;
	[tilespmem:$0x18200] =	vst v63  }
0x46: {  	_ = 	snop  }
0x47: {  	[tilespmem:s25], [sflag:$0x1] =	stream.indirect_vreg.gather [hbm4b:s8+s3], $0x80, v3, vm0, $0xb8;
	[tilespmem:$0x18200] =	vst v63  }
0x48: {  	_ = 	snop  }
0x49: {  	[tilespmem:s26], [sflag:$0x1] =	stream.indirect_vreg.gather [hbm4b:s9+s3], $0x80, v3, vm0, $0xb8;
	[tilespmem:$0x18200] =	vst v63  }
0x4a: {  	s26 =	simm.s32 $0x7200  }
0x4b: {  	[tilespmem:s26], [sflag:$0x1] =	stream.indirect_vreg.gather [hbm4b:s10+s3], $0x80, v3, vm0, $0xb8;
	[tilespmem:$0x18200] =	vst v63  }
0x4c: {  	s13 =	simm.s32 $0x7A00  }
0x4d: {  	[tilespmem:s13], [sflag:$0x1] =	stream.indirect_vreg.gather [hbm4b:s11+s3], $0x80, v3, vm0, $0xb8;
	[tilespmem:$0x18200] =	vst v63  }
0x4e: {  	v3 =	vld [tilespmem:$0x10];
	_ =	sdelay $0x4  }
0x4f: {  	v63 =	vshll.u32 v3, $0x4  }
0x50: {  	v3 =	vand.u32 $0x7, v3;
	v4 =	vand.u32 $0xFFFFFF80, v63  }
0x51: {  	v3 =	vor.u32 v3, v4  }
0x52: {  	v4 =	vperm.xlane v3, v0;
	_ =	sdelay $0x1  }
0x53: {  	v4 =	vadd.s32 v1, v4;
	_ =	sdelay $0x4  }
0x54: {  	[tilespmem:s1], [sflag:$0x2] =	stream.indirect_vreg.gather [hbm4b:s2+s3], $0x80, v4, vm0, $0xb8;
	[tilespmem:$0x18200] =	vst v63  }
0x55: {  	s14 =	simm.s32 $0x8A00  }
0x56: {  	[tilespmem:s14], [sflag:$0x2] =	stream.indirect_vreg.gather [hbm4b:s5+s3], $0x80, v4, vm0, $0xb8;
	[tilespmem:$0x18200] =	vst v63  }
0x57: {  	s15 =	simm.s32 $0x9200  }
0x58: {  	[tilespmem:s15], [sflag:$0x2] =	stream.indirect_vreg.gather [hbm4b:s6+s3], $0x80, v4, vm0, $0xb8;
	[tilespmem:$0x18200] =	vst v63  }
0x59: {  	s17 =	simm.s32 $0x9A00  }
0x5a: {  	[tilespmem:s17], [sflag:$0x2] =	stream.indirect_vreg.gather [hbm4b:s7+s3], $0x80, v4, vm0, $0xb8;
	[tilespmem:$0x18200] =	vst v63  }
0x5b: {  	s18 =	simm.s32 $0xA200  }
0x5c: {  	[tilespmem:s18], [sflag:$0x2] =	stream.indirect_vreg.gather [hbm4b:s8+s3], $0x80, v4, vm0, $0xb8;
	[tilespmem:$0x18200] =	vst v63  }
0x5d: {  	s19 =	simm.s32 $0xAA00;
	v3 =	vperm.xlane v3, v2  }
0x5e: {  	[tilespmem:s19], [sflag:$0x2] =	stream.indirect_vreg.gather [hbm4b:s9+s3], $0x80, v4, vm0, $0xb8;
	[tilespmem:$0x18200] =	vst v63  }
0x5f: {  	s20 =	simm.s32 $0xB200;
	v3 =	vadd.s32 v1, v3  }
0x60: {  	[tilespmem:s20], [sflag:$0x2] =	stream.indirect_vreg.gather [hbm4b:s10+s3], $0x80, v4, vm0, $0xb8;
	[tilespmem:$0x18200] =	vst v63  }
0x61: {  	s21 =	simm.s32 $0xBA00  }
0x62: {  	[tilespmem:s21], [sflag:$0x2] =	stream.indirect_vreg.gather [hbm4b:s11+s3], $0x80, v4, vm0, $0xb8;
	[tilespmem:$0x18200] =	vst v63  }
0x63: {  	s22 =	simm.s32 $0xC200  }
0x64: {  	[tilespmem:s22], [sflag:$0x2] =	stream.indirect_vreg.gather [hbm4b:s2+s3], $0x80, v3, vm0, $0xb8;
	[tilespmem:$0x18200] =	vst v63  }
0x65: {  	s23 =	simm.s32 $0xCA00  }
0x66: {  	[tilespmem:s23], [sflag:$0x2] =	stream.indirect_vreg.gather [hbm4b:s5+s3], $0x80, v3, vm0, $0xb8;
	[tilespmem:$0x18200] =	vst v63  }
0x67: {  	s24 =	simm.s32 $0xD200  }
0x68: {  	[tilespmem:s24], [sflag:$0x2] =	stream.indirect_vreg.gather [hbm4b:s6+s3], $0x80, v3, vm0, $0xb8;
	[tilespmem:$0x18200] =	vst v63  }
0x69: {  	s25 =	simm.s32 $0xDA00  }
0x6a: {  	[tilespmem:s25], [sflag:$0x2] =	stream.indirect_vreg.gather [hbm4b:s7+s3], $0x80, v3, vm0, $0xb8;
	[tilespmem:$0x18200] =	vst v63  }
0x6b: {  	s12 =	simm.s32 $0x40;
	s26 =	simm.s32 $0xE200  }
0x6c: {  	[tilespmem:s26], [sflag:$0x2] =	stream.indirect_vreg.gather [hbm4b:s8+s3], $0x80, v3, vm0, $0xb8;
	[tilespmem:$0x18200] =	vst v63  }
0x6d: {  	s13 =	simm.s32 $0x0;
	s18 =	simm.s32 $0xF200;
	s24 =	simm.s32 $0xEA00  }
0x6e: {  	[tilespmem:s24], [sflag:$0x2] =	stream.indirect_vreg.gather [hbm4b:s9+s3], $0x80, v3, vm0, $0xb8;
	[tilespmem:$0x18200] =	vst v63  }
0x6f: {  	s19 =	simm.s32 $0x2200;
	s20 =	simm.s32 $0x6200;
	s21 =	simm.s32 $0x3200  }
0x70: {  	[tilespmem:s18], [sflag:$0x2] =	stream.indirect_vreg.gather [hbm4b:s10+s3], $0x80, v3, vm0, $0xb8;
	[tilespmem:$0x18200] =	vst v63  }
0x71: {  	s22 =	simm.s32 $0xFA00;
	s23 =	simm.s32 $0x4200;
	s25 =	simm.s32 $0x5200  }
0x72: {  	[tilespmem:s22], [sflag:$0x2] =	stream.indirect_vreg.gather [hbm4b:s11+s3], $0x80, v3, vm0, $0xb8;
	[tilespmem:$0x18200] =	vst v63  }
.LBB2_2:
0x73: {  	_ =	swait.ge [sflag:s28], $0x8000  }
0x74: {  	p0 =	seq.s32 s13, $0x0;
	s14 =	rddreg [dreg:$0x5];
	[sflag:s28] =	ssyncset.done $0x0  }
0x75: {  	s15 =	simm.s32 @!p0 $0x6;
	[sflag:s28] =	ssyncadd.s32 $0xFFFF8000;
	s14 =	sadd.s32 s13, s14  }
0x76: {  	[hbm4b:s14+s3] =	stream.linear.scatter [tilespmem:s16], [sflag:$0x4], $0x8000, $0x38;
	[tilespmem:$0x18200] =	vst v63  }
0x77: {  	_ =	swait.ge @!p0 [sflag:s15], $0x8000  }
0x78: {  	[sflag:s15] =	ssyncset.done @!p0 $0x0  }
0x79: {  	[sflag:s15] =	ssyncadd.s32 @!p0 $0xFFFF8000  }
0x7a: {  	v3 =	vld [tilespmem:s12+$0xFFFFFFE0];
	_ =	sdelay $0x4  }
0x7b: {  	v4 =	vshll.u32 v3, $0x4  }
0x7c: {  	v3 =	vand.u32 $0x7, v3;
	v4 =	vand.u32 $0xFFFFFF80, v4  }
0x7d: {  	v3 =	vor.u32 v3, v4  }
0x7e: {  	v4 =	vperm.xlane v3, v0;
	_ =	sdelay $0x1  }
0x7f: {  	v4 =	vadd.s32 v1, v4;
	_ =	sdelay $0x4  }
0x80: {  	[tilespmem:s29], [sflag:$0x3] =	stream.indirect_vreg.gather [hbm4b:s2+s3], $0x80, v4, vm0, $0xb8;
	[tilespmem:$0x18200] =	vst v63  }
0x81: {  	s26 =	rddreg [dreg:$0x6]  }
0x82: {  	[tilespmem:s26], [sflag:$0x3] =	stream.indirect_vreg.gather [hbm4b:s5+s3], $0x80, v4, vm0, $0xb8;
	[tilespmem:$0x18200] =	vst v63  }
0x83: {  	s17 =	rddreg [dreg:$0x7]  }
0x84: {  	[tilespmem:s17], [sflag:$0x3] =	stream.indirect_vreg.gather [hbm4b:s6+s3], $0x80, v4, vm0, $0xb8;
	[tilespmem:$0x18200] =	vst v63  }
0x85: {  	s26 =	rddreg [dreg:$0x8]  }
0x86: {  	[tilespmem:s26], [sflag:$0x3] =	stream.indirect_vreg.gather [hbm4b:s7+s3], $0x80, v4, vm0, $0xb8;
	[tilespmem:$0x18200] =	vst v63  }
0x87: {  	s17 =	rddreg [dreg:$0x9]  }
0x88: {  	[tilespmem:s17], [sflag:$0x3] =	stream.indirect_vreg.gather [hbm4b:s8+s3], $0x80, v4, vm0, $0xb8;
	[tilespmem:$0x18200] =	vst v63  }
0x89: {  	v3 =	vperm.xlane v3, v2;
	s26 =	rddreg [dreg:$0xa]  }
0x8a: {  	[tilespmem:s26], [sflag:$0x3] =	stream.indirect_vreg.gather [hbm4b:s9+s3], $0x80, v4, vm0, $0xb8;
	[tilespmem:$0x18200] =	vst v63  }
0x8b: {  	v3 =	vadd.s32 v1, v3;
	s17 =	rddreg [dreg:$0xb]  }
0x8c: {  	[tilespmem:s17], [sflag:$0x3] =	stream.indirect_vreg.gather [hbm4b:s10+s3], $0x80, v4, vm0, $0xb8;
	[tilespmem:$0x18200] =	vst v63  }
0x8d: {  	s26 =	rddreg [dreg:$0xc]  }
0x8e: {  	[tilespmem:s26], [sflag:$0x3] =	stream.indirect_vreg.gather [hbm4b:s11+s3], $0x80, v4, vm0, $0xb8;
	[tilespmem:$0x18200] =	vst v63  }
0x8f: {  	s17 =	rddreg [dreg:$0xd]  }
0x90: {  	[tilespmem:s17], [sflag:$0x3] =	stream.indirect_vreg.gather [hbm4b:s2+s3], $0x80, v3, vm0, $0xb8;
	[tilespmem:$0x18200] =	vst v63  }
0x91: {  	s26 =	rddreg [dreg:$0xe]  }
0x92: {  	[tilespmem:s26], [sflag:$0x3] =	stream.indirect_vreg.gather [hbm4b:s5+s3], $0x80, v3, vm0, $0xb8;
	[tilespmem:$0x18200] =	vst v63  }
0x93: {  	s17 =	rddreg [dreg:$0xf]  }
0x94: {  	[tilespmem:s17], [sflag:$0x3] =	stream.indirect_vreg.gather [hbm4b:s6+s3], $0x80, v3, vm0, $0xb8;
	[tilespmem:$0x18200] =	vst v63  }
0x95: {  	s26 =	rddreg [dreg:$0x10]  }
0x96: {  	[tilespmem:s26], [sflag:$0x3] =	stream.indirect_vreg.gather [hbm4b:s7+s3], $0x80, v3, vm0, $0xb8;
	[tilespmem:$0x18200] =	vst v63  }
0x97: {  	s17 =	rddreg [dreg:$0x11]  }
0x98: {  	[tilespmem:s17], [sflag:$0x3] =	stream.indirect_vreg.gather [hbm4b:s8+s3], $0x80, v3, vm0, $0xb8;
	[tilespmem:$0x18200] =	vst v63  }
0x99: {  	s26 =	rddreg [dreg:$0x12]  }
0x9a: {  	[tilespmem:s26], [sflag:$0x3] =	stream.indirect_vreg.gather [hbm4b:s9+s3], $0x80, v3, vm0, $0xb8;
	[tilespmem:$0x18200] =	vst v63  }
0x9b: {  	s17 =	rddreg [dreg:$0x13]  }
0x9c: {  	[tilespmem:s17], [sflag:$0x3] =	stream.indirect_vreg.gather [hbm4b:s10+s3], $0x80, v3, vm0, $0xb8;
	[tilespmem:$0x18200] =	vst v63  }
0x9d: {  	s26 =	rddreg [dreg:$0x14]  }
0x9e: {  	[tilespmem:s26], [sflag:$0x3] =	stream.indirect_vreg.gather [hbm4b:s11+s3], $0x80, v3, vm0, $0xb8;
	[tilespmem:$0x18200] =	vst v63  }
0x9f: {  	_ =	swait.ge [sflag:s30], $0x8000  }
0xa0: {  	s26 =	rddreg [dreg:$0x4];
	[sflag:s30] =	ssyncset.done $0x0  }
0xa1: {  	[sflag:s30] =	ssyncadd.s32 $0xFFFF8000;
	s15 =	sadd.s32 s13, s26  }
0xa2: {  	[hbm4b:s15+s3] =	stream.linear.scatter [tilespmem:s1], [sflag:$0x5], $0x8000, $0x38;
	[tilespmem:$0x18200] =	vst v63  }
0xa3: {  	_ =	swait.ge [sflag:s31], $0x8000  }
0xa4: {  	[sflag:s31] =	ssyncset.done $0x0  }
0xa5: {  	[sflag:s31] =	ssyncadd.s32 $0xFFFF8000  }
0xa6: {  	v3 =	vld [tilespmem:s12+$0xFFFFFFF0];
	_ =	sdelay $0x4  }
0xa7: {  	v62 =	vshll.u32 v3, $0x4  }
0xa8: {  	v3 =	vand.u32 $0x7, v3;
	v4 =	vand.u32 $0xFFFFFF80, v62  }
0xa9: {  	v3 =	vor.u32 v3, v4  }
0xaa: {  	v4 =	vperm.xlane v3, v0;
	_ =	sdelay $0x1  }
0xab: {  	v4 =	vadd.s32 v1, v4;
	_ =	sdelay $0x4  }
0xac: {  	[tilespmem:s16], [sflag:$0x1] =	stream.indirect_vreg.gather [hbm4b:s2+s3], $0x80, v4, vm0, $0xb8;
	[tilespmem:$0x18200] =	vst v63  }
0xad: {  	s15 =	simm.s32 $0xA00  }
0xae: {  	[tilespmem:s15], [sflag:$0x1] =	stream.indirect_vreg.gather [hbm4b:s5+s3], $0x80, v4, vm0, $0xb8;
	[tilespmem:$0x18200] =	vst v63  }
0xaf: {  	s17 =	simm.s32 $0x1200  }
0xb0: {  	[tilespmem:s17], [sflag:$0x1] =	stream.indirect_vreg.gather [hbm4b:s6+s3], $0x80, v4, vm0, $0xb8;
	[tilespmem:$0x18200] =	vst v63  }
0xb1: {  	s26 =	simm.s32 $0x1A00  }
0xb2: {  	[tilespmem:s26], [sflag:$0x1] =	stream.indirect_vreg.gather [hbm4b:s7+s3], $0x80, v4, vm0, $0xb8;
	[tilespmem:$0x18200] =	vst v63  }
0xb3: {  	_ = 	snop  }
0xb4: {  	[tilespmem:s19], [sflag:$0x1] =	stream.indirect_vreg.gather [hbm4b:s8+s3], $0x80, v4, vm0, $0xb8;
	[tilespmem:$0x18200] =	vst v63  }
0xb5: {  	v3 =	vperm.xlane v3, v2;
	s26 =	simm.s32 $0x2A00  }
0xb6: {  	[tilespmem:s26], [sflag:$0x1] =	stream.indirect_vreg.gather [hbm4b:s9+s3], $0x80, v4, vm0, $0xb8;
	[tilespmem:$0x18200] =	vst v63  }
0xb7: {  	v3 =	vadd.s32 v1, v3  }
0xb8: {  	[tilespmem:s21], [sflag:$0x1] =	stream.indirect_vreg.gather [hbm4b:s10+s3], $0x80, v4, vm0, $0xb8;
	[tilespmem:$0x18200] =	vst v63  }
0xb9: {  	s26 =	simm.s32 $0x3A00  }
0xba: {  	[tilespmem:s26], [sflag:$0x1] =	stream.indirect_vreg.gather [hbm4b:s11+s3], $0x80, v4, vm0, $0xb8;
	[tilespmem:$0x18200] =	vst v63  }
0xbb: {  	_ = 	snop  }
0xbc: {  	[tilespmem:s23], [sflag:$0x1] =	stream.indirect_vreg.gather [hbm4b:s2+s3], $0x80, v3, vm0, $0xb8;
	[tilespmem:$0x18200] =	vst v63  }
0xbd: {  	s26 =	simm.s32 $0x4A00  }
0xbe: {  	[tilespmem:s26], [sflag:$0x1] =	stream.indirect_vreg.gather [hbm4b:s5+s3], $0x80, v3, vm0, $0xb8;
	[tilespmem:$0x18200] =	vst v63  }
0xbf: {  	_ = 	snop  }
0xc0: {  	[tilespmem:s25], [sflag:$0x1] =	stream.indirect_vreg.gather [hbm4b:s6+s3], $0x80, v3, vm0, $0xb8;
	[tilespmem:$0x18200] =	vst v63  }
0xc1: {  	s26 =	simm.s32 $0x5A00  }
0xc2: {  	[tilespmem:s26], [sflag:$0x1] =	stream.indirect_vreg.gather [hbm4b:s7+s3], $0x80, v3, vm0, $0xb8;
	[tilespmem:$0x18200] =	vst v63  }
0xc3: {  	_ = 	snop  }
0xc4: {  	[tilespmem:s20], [sflag:$0x1] =	stream.indirect_vreg.gather [hbm4b:s8+s3], $0x80, v3, vm0, $0xb8;
	[tilespmem:$0x18200] =	vst v63  }
0xc5: {  	s26 =	simm.s32 $0x6A00  }
0xc6: {  	[tilespmem:s26], [sflag:$0x1] =	stream.indirect_vreg.gather [hbm4b:s9+s3], $0x80, v3, vm0, $0xb8;
	[tilespmem:$0x18200] =	vst v63  }
0xc7: {  	s26 =	simm.s32 $0x7200  }
0xc8: {  	[tilespmem:s26], [sflag:$0x1] =	stream.indirect_vreg.gather [hbm4b:s10+s3], $0x80, v3, vm0, $0xb8;
	[tilespmem:$0x18200] =	vst v63  }
0xc9: {  	s26 =	simm.s32 $0x7A00  }
0xca: {  	[tilespmem:s26], [sflag:$0x1] =	stream.indirect_vreg.gather [hbm4b:s11+s3], $0x80, v3, vm0, $0xb8;
	[tilespmem:$0x18200] =	vst v63  }
0xcb: {  	_ =	swait.ge [sflag:s0], $0x8000  }
0xcc: {  	[sflag:s0] =	ssyncset.done $0x0  }
0xcd: {  	s14 =	sadd.s32 $0x2000, s14;
	[sflag:s0] =	ssyncadd.s32 $0xFFFF8000  }
0xce: {  	[hbm4b:s14+s3] =	stream.linear.scatter [tilespmem:s29], [sflag:$0x6], $0x8000, $0x38;
	[tilespmem:$0x18200] =	vst v63  }
0xcf: {  	_ =	swait.ge [sflag:s4], $0x8000  }
0xd0: {  	[sflag:s4] =	ssyncset.done $0x0  }
0xd1: {  	[sflag:s4] =	ssyncadd.s32 $0xFFFF8000  }
0xd2: {  	v3 =	vld [tilespmem:s12+$0x0];
	_ =	sdelay $0x4  }
0xd3: {  	v63 =	vshll.u32 v3, $0x4  }
0xd4: {  	v3 =	vand.u32 $0x7, v3;
	v4 =	vand.u32 $0xFFFFFF80, v63  }
0xd5: {  	v3 =	vor.u32 v3, v4  }
0xd6: {  	v4 =	vperm.xlane v3, v0;
	_ =	sdelay $0x1  }
0xd7: {  	v4 =	vadd.s32 v1, v4;
	_ =	sdelay $0x4  }
0xd8: {  	[tilespmem:s1], [sflag:$0x2] =	stream.indirect_vreg.gather [hbm4b:s2+s3], $0x80, v4, vm0, $0xb8;
	[tilespmem:$0x18200] =	vst v63  }
0xd9: {  	s26 =	simm.s32 $0x8A00  }
0xda: {  	[tilespmem:s26], [sflag:$0x2] =	stream.indirect_vreg.gather [hbm4b:s5+s3], $0x80, v4, vm0, $0xb8;
	[tilespmem:$0x18200] =	vst v63  }
0xdb: {  	s26 =	simm.s32 $0x9200  }
0xdc: {  	[tilespmem:s26], [sflag:$0x2] =	stream.indirect_vreg.gather [hbm4b:s6+s3], $0x80, v4, vm0, $0xb8;
	[tilespmem:$0x18200] =	vst v63  }
0xdd: {  	s26 =	simm.s32 $0x9A00  }
0xde: {  	[tilespmem:s26], [sflag:$0x2] =	stream.indirect_vreg.gather [hbm4b:s7+s3], $0x80, v4, vm0, $0xb8;
	[tilespmem:$0x18200] =	vst v63  }
0xdf: {  	s26 =	simm.s32 $0xA200  }
0xe0: {  	[tilespmem:s26], [sflag:$0x2] =	stream.indirect_vreg.gather [hbm4b:s8+s3], $0x80, v4, vm0, $0xb8;
	[tilespmem:$0x18200] =	vst v63  }
0xe1: {  	v3 =	vperm.xlane v3, v2;
	s26 =	simm.s32 $0xAA00  }
0xe2: {  	[tilespmem:s26], [sflag:$0x2] =	stream.indirect_vreg.gather [hbm4b:s9+s3], $0x80, v4, vm0, $0xb8;
	[tilespmem:$0x18200] =	vst v63  }
0xe3: {  	v3 =	vadd.s32 v1, v3;
	s26 =	simm.s32 $0xB200  }
0xe4: {  	[tilespmem:s26], [sflag:$0x2] =	stream.indirect_vreg.gather [hbm4b:s10+s3], $0x80, v4, vm0, $0xb8;
	[tilespmem:$0x18200] =	vst v63  }
0xe5: {  	s26 =	simm.s32 $0xBA00  }
0xe6: {  	[tilespmem:s26], [sflag:$0x2] =	stream.indirect_vreg.gather [hbm4b:s11+s3], $0x80, v4, vm0, $0xb8;
	[tilespmem:$0x18200] =	vst v63  }
0xe7: {  	s26 =	simm.s32 $0xC200  }
0xe8: {  	[tilespmem:s26], [sflag:$0x2] =	stream.indirect_vreg.gather [hbm4b:s2+s3], $0x80, v3, vm0, $0xb8;
	[tilespmem:$0x18200] =	vst v63  }
0xe9: {  	s26 =	simm.s32 $0xCA00  }
0xea: {  	[tilespmem:s26], [sflag:$0x2] =	stream.indirect_vreg.gather [hbm4b:s5+s3], $0x80, v3, vm0, $0xb8;
	[tilespmem:$0x18200] =	vst v63  }
0xeb: {  	s26 =	simm.s32 $0xD200  }
0xec: {  	[tilespmem:s26], [sflag:$0x2] =	stream.indirect_vreg.gather [hbm4b:s6+s3], $0x80, v3, vm0, $0xb8;
	[tilespmem:$0x18200] =	vst v63  }
0xed: {  	s26 =	simm.s32 $0xDA00  }
0xee: {  	[tilespmem:s26], [sflag:$0x2] =	stream.indirect_vreg.gather [hbm4b:s7+s3], $0x80, v3, vm0, $0xb8;
	[tilespmem:$0x18200] =	vst v63  }
0xef: {  	s13 =	sadd.s32 $0x3000, s13;
	s26 =	simm.s32 $0xE200  }
0xf0: {  	[tilespmem:s26], [sflag:$0x2] =	stream.indirect_vreg.gather [hbm4b:s8+s3], $0x80, v3, vm0, $0xb8;
	[tilespmem:$0x18200] =	vst v63  }
0xf1: {  	p0 =	sne.s32 s13, $0x1E000  }
0xf2: {  	[tilespmem:s24], [sflag:$0x2] =	stream.indirect_vreg.gather [hbm4b:s9+s3], $0x80, v3, vm0, $0xb8;
	[tilespmem:$0x18200] =	vst v63  }
.Ltmp0:
0xf3: {  	_ = 	snop;
	(pc) =	sbr.rel @p0 .LBB2_2-.Ltmp0, $4  }
0xf4: {  	_ = 	snop  }
0xf5: {  	[tilespmem:s18], [sflag:$0x2] =	stream.indirect_vreg.gather [hbm4b:s10+s3], $0x80, v3, vm0, $0xb8;
	[tilespmem:$0x18200] =	vst v63  }
0xf6: {  	s12 =	sadd.s32 $0x30, s12  }
0xf7: {  	[tilespmem:s22], [sflag:$0x2] =	stream.indirect_vreg.gather [hbm4b:s11+s3], $0x80, v3, vm0, $0xb8;
	[tilespmem:$0x18200] =	vst v63  }
0xf8: {  	_ =	swait.ge [sflag:s28], $0x8000  }
0xf9: {  	[sflag:s28] =	ssyncset.done $0x0  }
0xfa: {  	s24 =	simm.s32 $0x6;
	s12 =	rddreg [dreg:$0x16];
	[sflag:s28] =	ssyncadd.s32 $0xFFFF8000  }
0xfb: {  	[hbm4b:s12+s3] =	stream.linear.scatter [tilespmem:s16], [sflag:$0x4], $0x8000, $0x38;
	[tilespmem:$0x18200] =	vst v63  }
0xfc: {  	_ =	swait.ge [sflag:s24], $0x8000  }
0xfd: {  	[sflag:s24] =	ssyncset.done $0x0  }
0xfe: {  	[sflag:s24] =	ssyncadd.s32 $0xFFFF8000  }
0xff: {  	_ =	swait.ge [sflag:s30], $0x8000  }
0x100: {  	[sflag:s30] =	ssyncset.done $0x0  }
0x101: {  	s25 =	rddreg [dreg:$0x17];
	[sflag:s30] =	ssyncadd.s32 $0xFFFF8000  }
0x102: {  	[hbm4b:s25+s3] =	stream.linear.scatter [tilespmem:s1], [sflag:$0x5], $0x8000, $0x38;
	[tilespmem:$0x18200] =	vst v63  }
0x103: {  	_ =	swait.ge [sflag:s31], $0x8000  }
0x104: {  	[sflag:s31] =	ssyncset.done $0x0  }
0x105: {  	[sflag:s31] =	ssyncadd.s32 $0xFFFF8000  }
0x106: {  	_ =	swait.ge [sflag:s4], $0x8000  }
0x107: {  	s13 =	rddreg [dreg:$0x19]  }
0x108: {  	s26 =	rddreg [dreg:$0x18];
	s13 =	sadd.s32 $0x1, s13  }
0x109: {  	p0 =	sne.s32 s13, s26  }
.Ltmp1:
0x10a: {  	s14 =	simm.s32 $0x2200;
	s18 =	simm.s32 $0x2A00;
	(pc) =	sbr.rel @p0 .LBB2_1-.Ltmp1, $4  }
0x10b: {  	s19 =	simm.s32 $0x3200;
	s20 =	simm.s32 $0x3A00;
	s21 =	simm.s32 $0x4200  }
0x10c: {  	s22 =	simm.s32 $0x4A00;
	s23 =	simm.s32 $0x5200;
	[sflag:s4] =	ssyncset.done $0x0  }
0x10d: {  	s24 =	simm.s32 $0x5A00;
	s25 =	simm.s32 $0x6200;
	[sflag:s4] =	ssyncadd.s32 $0xFFFF8000  }
0x10e: {  	[dreg:$0x19] =	wrdreg s13;
	s13 =	simm.s32 $0x1A00;
	s26 =	simm.s32 $0x6A00  }
0x10f: {  	_ =	sfence.sel $0x180000  }
0x110: {  	[bflag:$0x0] =	sbarrier.arrive $0xFFFF  }
0x111: {  	_ =	strace $0x90000047  }
0x112: {  	s0 =	stileid.u32;
	[bflag:$0x2] =	sbarrier.arrive $0xFFFF  }
0x113: {  	p0 =	sne.s32 s0, $0x0;
	s0 =	rddreg [dreg:$0x3]  }
0x114: {  	s0 =	sadd.s32 @!p0 $0x100000, s0  }
0x115: {  	[sflag:s0] =	ssyncadd.tile.s32 @!p0 $0x1;
	_ =	shalt  }
.Lfunc_end2:
_tile_overlayer_lowered:
.L_overlay_start_2:
0x116: {  	(tag) =	ssettag $0x2  }
0x117: {  	s0 =	rddreg [dreg:$0x0];
	s2 =	stileid.u32  }
0x118: {  	s1 =	rddreg [dreg:$0x1];
	p0 =	sne.s32 s2, $0x0  }
0x119: {  	s3 =	rddreg [dreg:$0x2];
	[bflag:$0x3] =	sbarrier.arrive $0xFFFF;
	s2 =	simm.s32 @!p0 $0x1C07  }
0x11a: {  	[timem:s3], [sflag:s2] =	dma.local @!p0 [hbm:s0], s1  }
0x11b: {  	s0 =	simm.s32 @!p0 $0x7  }
0x11c: {  	_ =	swait.ge @!p0 [sflag:s0], s1  }
0x11d: {  	s1 =	ssub.s32 @!p0 $0x0, s1;
	[sflag:s0] =	ssyncset.done @!p0 $0x0  }
0x11e: {  	[sflag:s0] =	ssyncadd.s32 @!p0 s1  }
0x11f: {  	[bflag:$0x3] =	sbarrier.arrive $0xFFFF  }
0x120: {  	_ =	shalt  }

</sc_bundles>
